<compile_context>
chip_gen: v7x
topology: tpu7x:2x2x1
jax: 0.10.2.dev20260603
libtpu: 0.0.44.dev20260713+nightly
codegen_flags: <defaults>
</compile_context>

<pallas_src>
import functools

import jax
import jax.numpy as jnp
from jax import lax
from jax.experimental import pallas as pl
from jax.experimental.pallas import tpu as pltpu
from jax.experimental.pallas import tpu_sc as plsc

N = 10000
D = 128
E = 320000

NUM_CORES = 2
NUM_SUBCORES = 16
NW = NUM_CORES * NUM_SUBCORES
EPW = E // NW
LANES = 16

BM = 400


def _tc_body(adj_ref, x_ref, wenc_ref, wmlp_ref, b_ref, out_ref):
    h = jnp.dot(adj_ref[...], x_ref[...], preferred_element_type=jnp.float32)
    h = h * (1.0 / N)
    e = jnp.maximum(jnp.dot(h, wenc_ref[...], preferred_element_type=jnp.float32), 0.0)
    w2 = jnp.concatenate([wmlp_ref[0:D, :], wmlp_ref[D:, :]], axis=1)
    bias = jnp.concatenate([b_ref[...], jnp.zeros((1, 1), jnp.float32)], axis=1)
    out_ref[...] = jnp.dot(e, w2, preferred_element_type=jnp.float32) + bias


def _node_scalars(adj, x, W_enc, W_mlp, b_mlp):
    return pl.pallas_call(
        _tc_body,
        grid=(N // BM,),
        in_specs=[
            pl.BlockSpec((BM, N), lambda i: (i, 0)),
            pl.BlockSpec((N, D), lambda i: (0, 0)),
            pl.BlockSpec((D, D), lambda i: (0, 0)),
            pl.BlockSpec((2 * D, 1), lambda i: (0, 0)),
            pl.BlockSpec((1, 1), lambda i: (0, 0)),
        ],
        out_specs=pl.BlockSpec((BM, 2), lambda i: (i, 0)),
        out_shape=jax.ShapeDtypeStruct((N, 2), jnp.float32),
        compiler_params=pltpu.CompilerParams(
            dimension_semantics=("arbitrary",),
            vmem_limit_bytes=110 * 1024 * 1024,
        ),
    )(adj, x, W_enc, W_mlp, b_mlp.reshape(1, 1))


def _edge_scores_body(st_hbm, edges_hbm, out_hbm, st_v, src_v, dst_v, o_v, sem):
    wid = lax.axis_index("s") * NUM_CORES + lax.axis_index("c")
    base = wid * EPW
    c_st = pltpu.async_copy(st_hbm, st_v, sem)
    c_src = pltpu.async_copy(edges_hbm.at[pl.ds(base, EPW)], src_v, sem)
    c_dst = pltpu.async_copy(edges_hbm.at[pl.ds(E + base, EPW)], dst_v, sem)
    c_st.wait()
    c_src.wait()
    c_dst.wait()

    @plsc.parallel_loop(0, EPW, step=LANES, unroll=8)
    def body(off):
        si = src_v[pl.ds(off, LANES)] * 2
        di = dst_v[pl.ds(off, LANES)] * 2 + 1
        vs = plsc.load_gather(st_v, [si])
        vt = plsc.load_gather(st_v, [di])
        o_v[pl.ds(off, LANES)] = vs + vt

    pltpu.sync_copy(o_v, out_hbm.at[pl.ds(base, EPW)])


@functools.lru_cache(maxsize=1)
def _edge_scores_kernel():
    mesh = plsc.VectorSubcoreMesh(
        core_axis_name="c", subcore_axis_name="s",
        num_cores=NUM_CORES, num_subcores=NUM_SUBCORES,
    )
    return pl.kernel(
        _edge_scores_body,
        out_type=jax.ShapeDtypeStruct((E,), jnp.float32),
        mesh=mesh,
        scratch_types=[
            pltpu.VMEM((N * 2,), jnp.float32),
            pltpu.VMEM((EPW,), jnp.int32),
            pltpu.VMEM((EPW,), jnp.int32),
            pltpu.VMEM((EPW,), jnp.float32),
            pltpu.SemaphoreType.DMA,
        ],
        compiler_params=pltpu.CompilerParams(needs_layout_passes=False),
    )


def kernel(x, adj, edge_index, W_enc, W_mlp, b_mlp):
    st = _node_scalars(adj, x, W_enc, W_mlp, b_mlp)
    out = _edge_scores_kernel()(st.reshape(-1), edge_index.reshape(-1))
    return out.reshape(E, 1)

# --- scband reference (transcript-rebuilt; emitter-appended) ---
"""Pipeline reference for scband-view-learner-38543036514335 (READ-ONLY COPY).

The authoritative reference and input builder live on the scoring server;
editing this copy changes nothing except your own understanding.
"""

import jax, jax.numpy as jnp
import numpy as np

N = 10000
D = 128
E = 320000


def setup_inputs(seed: int = 0) -> dict:
    key = jax.random.key(seed)
    k1, k2, k3, k4, k5 = jax.random.split(key, 5)
    x = jax.random.normal(k1, (N, D), dtype=jnp.float32)
    adj = jax.random.uniform(k2, (N, N), dtype=jnp.float32)
    edge_index = jax.random.randint(k3, (2, E), 0, N, dtype=jnp.int32)
    # Encoder: single dense-GCN layer  h = relu(((adj @ x)/N) @ W_enc)
    W_enc = jax.random.normal(k4, (D, D), dtype=jnp.float32) * (1.0 / np.sqrt(D))
    # mlp_edge_model: Linear(2*D -> 1), xavier_uniform weight, zero bias
    limit = np.sqrt(6.0 / (2 * D + 1))
    W_mlp = jax.random.uniform(k5, (2 * D, 1), dtype=jnp.float32, minval=-limit, maxval=limit)
    b_mlp = jnp.zeros((1,), dtype=jnp.float32)
    return {"x": x, "adj": adj, "edge_index": edge_index, "W_enc": W_enc, "W_mlp": W_mlp, "b_mlp": b_mlp}


def reference(x, adj, edge_index, W_enc, W_mlp, b_mlp):
    # encoder(x, adj): normalized dense-GCN layer
    h = (adj @ x) / adj.shape[0]
    node_emb = jnp.maximum(h @ W_enc, 0.0)
    # ViewLearner forward
    src = edge_index[0]
    dst = edge_index[1]
    emb_src = jnp.take(node_emb, src, axis=0)
    emb_dst = jnp.take(node_emb, dst, axis=0)
    edge_emb = jnp.concatenate([emb_src, emb_dst], axis=1)
    edge_logits = edge_emb @ W_mlp + b_mlp
    return edge_logits

if __name__ == "__main__":
    import jax
    _d = setup_inputs()
    print(jax.jit(kernel)(*tuple(_d.values())))

</pallas_src>

<mosaic_0001>
#map = affine_map<(d0, d1) -> (0)>
module attributes {stable_mosaic.version = 14 : i64} {
  func.func @_edge_scores_body(%arg0: i32, %arg1: i32, %arg2: memref<20000xf32, #tpu.memory_space<hbm>>, %arg3: memref<640000xi32, #tpu.memory_space<hbm>>, %arg4: memref<320000xf32, #tpu.memory_space<hbm>>, %arg5: memref<20000xf32, #tpu.memory_space<vmem>>, %arg6: memref<10000xi32, #tpu.memory_space<vmem>>, %arg7: memref<10000xi32, #tpu.memory_space<vmem>>, %arg8: memref<10000xf32, #tpu.memory_space<vmem>>, %arg9: memref<!tpu.dma_semaphore, #tpu.memory_space<semaphore_mem>>) attributes {dimension_semantics = [#tpu.dimension_semantics<core_parallel>, #tpu.dimension_semantics<subcore_parallel>], iteration_bounds = array<i64: 2, 16>, scalar_prefetch = 0 : i64, scratch_operands = 5 : i64, tpu.core_type = #tpu.core_type<sc_vector_subcore>, window_params = [{transform_indices = #map}, {transform_indices = #map}, {transform_indices = #map}]} {
    %mul3A = arith.constant 2 : i32
    %mul3A_0 = arith.muli %arg1, %mul3A : i32
    %add3A = arith.addi %mul3A_0, %arg0 : i32
    %mul3A_1 = arith.constant 10000 : i32
    %mul3A_2 = arith.muli %add3A, %mul3A_1 : i32
    tpu.enqueue_dma source(%arg2 : memref<20000xf32, #tpu.memory_space<hbm>>) target(%arg5 : memref<20000xf32, #tpu.memory_space<vmem>>) target_semaphore(%arg9 : memref<!tpu.dma_semaphore, #tpu.memory_space<semaphore_mem>>)
    %dma_start3A = tpu.memref_slice %arg3[%mul3A_2] : memref<640000xi32, #tpu.memory_space<hbm>> -> memref<10000xi32, #tpu.memory_space<hbm>>
    %dma_start3A_3 = tpu.memref_slice %arg3[%mul3A_2] : memref<640000xi32, #tpu.memory_space<hbm>> -> memref<10000xi32, #tpu.memory_space<hbm>>
    tpu.enqueue_dma source(%dma_start3A_3 : memref<10000xi32, #tpu.memory_space<hbm>>) target(%arg6 : memref<10000xi32, #tpu.memory_space<vmem>>) target_semaphore(%arg9 : memref<!tpu.dma_semaphore, #tpu.memory_space<semaphore_mem>>)
    %add3A_4 = arith.constant 320000 : i32
    %add3A_5 = arith.addi %add3A_4, %mul3A_2 : i32
    %dma_start3A_6 = tpu.memref_slice %arg3[%add3A_5] : memref<640000xi32, #tpu.memory_space<hbm>> -> memref<10000xi32, #tpu.memory_space<hbm>>
    %dma_start3A_7 = tpu.memref_slice %arg3[%add3A_5] : memref<640000xi32, #tpu.memory_space<hbm>> -> memref<10000xi32, #tpu.memory_space<hbm>>
    tpu.enqueue_dma source(%dma_start3A_7 : memref<10000xi32, #tpu.memory_space<hbm>>) target(%arg7 : memref<10000xi32, #tpu.memory_space<vmem>>) target_semaphore(%arg9 : memref<!tpu.dma_semaphore, #tpu.memory_space<semaphore_mem>>)
    tpu.wait_dma2 semaphore(%arg9 : memref<!tpu.dma_semaphore, #tpu.memory_space<semaphore_mem>>) src(%arg2 : memref<20000xf32, #tpu.memory_space<hbm>>) dst(%arg5 : memref<20000xf32, #tpu.memory_space<vmem>>)
    %dma_wait3A = tpu.memref_slice %arg3[%mul3A_2] : memref<640000xi32, #tpu.memory_space<hbm>> -> memref<10000xi32, #tpu.memory_space<hbm>>
    %dma_wait3A_8 = tpu.memref_slice %arg3[%mul3A_2] : memref<640000xi32, #tpu.memory_space<hbm>> -> memref<10000xi32, #tpu.memory_space<hbm>>
    tpu.wait_dma2 semaphore(%arg9 : memref<!tpu.dma_semaphore, #tpu.memory_space<semaphore_mem>>) src(%dma_wait3A_8 : memref<10000xi32, #tpu.memory_space<hbm>>) dst(%arg6 : memref<10000xi32, #tpu.memory_space<vmem>>)
    %dma_wait3A_9 = tpu.memref_slice %arg3[%add3A_5] : memref<640000xi32, #tpu.memory_space<hbm>> -> memref<10000xi32, #tpu.memory_space<hbm>>
    %dma_wait3A_10 = tpu.memref_slice %arg3[%add3A_5] : memref<640000xi32, #tpu.memory_space<hbm>> -> memref<10000xi32, #tpu.memory_space<hbm>>
    tpu.wait_dma2 semaphore(%arg9 : memref<!tpu.dma_semaphore, #tpu.memory_space<semaphore_mem>>) src(%dma_wait3A_10 : memref<10000xi32, #tpu.memory_space<hbm>>) dst(%arg7 : memref<10000xi32, #tpu.memory_space<vmem>>)
    %parallel_loop3A = arith.constant 0 : i32
    %parallel_loop3A_11 = arith.constant 10000 : i32
    %parallel_loop3A_12 = arith.constant 16 : i32
    scf.for %parallel_loop3A_13 = %parallel_loop3A to %parallel_loop3A_11 step %parallel_loop3A_12  : i32 {
      %parallel_loop3A_14 = arith.index_cast %parallel_loop3A_13 : i32 to index
      %parallel_loop3A_15 = tpu.vector_load %arg6[%parallel_loop3A_14] {strides = array<i32>} : memref<10000xi32, #tpu.memory_space<vmem>>, vector<16xi32>,
      %parallel_loop3A_16 = arith.constant 2 : i32
      %parallel_loop3A_17 = vector.broadcast %parallel_loop3A_16 : i32 to vector<16xi32>
      %parallel_loop3A_18 = arith.muli %parallel_loop3A_15, %parallel_loop3A_17 : vector<16xi32>
      %parallel_loop3A_19 = arith.index_cast %parallel_loop3A_13 : i32 to index
      %parallel_loop3A_20 = tpu.vector_load %arg7[%parallel_loop3A_19] {strides = array<i32>} : memref<10000xi32, #tpu.memory_space<vmem>>, vector<16xi32>,
      %parallel_loop3A_21 = arith.constant 2 : i32
      %parallel_loop3A_22 = vector.broadcast %parallel_loop3A_21 : i32 to vector<16xi32>
      %parallel_loop3A_23 = arith.muli %parallel_loop3A_20, %parallel_loop3A_22 : vector<16xi32>
      %parallel_loop3A_24 = arith.constant 1 : i32
      %parallel_loop3A_25 = vector.broadcast %parallel_loop3A_24 : i32 to vector<16xi32>
      %parallel_loop3A_26 = arith.addi %parallel_loop3A_23, %parallel_loop3A_25 : vector<16xi32>
      %parallel_loop3A_27 = tpu.vector_load_idx %arg5[%parallel_loop3A_18] : memref<20000xf32, #tpu.memory_space<vmem>>[vector<16xi32>], vector<16xf32>,
      %parallel_loop3A_28 = tpu.vector_load_idx %arg5[%parallel_loop3A_26] : memref<20000xf32, #tpu.memory_space<vmem>>[vector<16xi32>], vector<16xf32>,
      %parallel_loop3A_29 = arith.addf %parallel_loop3A_27, %parallel_loop3A_28 : vector<16xf32>
      %parallel_loop3A_30 = arith.index_cast %parallel_loop3A_13 : i32 to index
      %parallel_loop3A_31 = tpu.vector_load %arg8[%parallel_loop3A_30] {strides = array<i32>} : memref<10000xf32, #tpu.memory_space<vmem>>, vector<16xf32>,
      tpu.vector_store %arg8[%parallel_loop3A_30], %parallel_loop3A_29 {strides = array<i32>} : memref<10000xf32, #tpu.memory_space<vmem>>, vector<16xf32>,
    } {sc.loop_unroll_factor = 8 : i64, sc.parallel_access}
    "tpu.region"() ({
      %run_scoped3A = tpu.sem_alloc : memref<!tpu.dma_semaphore, #tpu.memory_space<semaphore_mem>>
      %dma_start3A_13 = tpu.memref_slice %arg4[%mul3A_2] : memref<320000xf32, #tpu.memory_space<hbm>> -> memref<10000xf32, #tpu.memory_space<hbm>>
      %dma_start3A_14 = tpu.memref_slice %arg4[%mul3A_2] : memref<320000xf32, #tpu.memory_space<hbm>> -> memref<10000xf32, #tpu.memory_space<hbm>>
      tpu.enqueue_dma source(%arg8 : memref<10000xf32, #tpu.memory_space<vmem>>) target(%dma_start3A_14 : memref<10000xf32, #tpu.memory_space<hbm>>) target_semaphore(%run_scoped3A : memref<!tpu.dma_semaphore, #tpu.memory_space<semaphore_mem>>)
      %dma_wait3A_15 = tpu.memref_slice %arg4[%mul3A_2] : memref<320000xf32, #tpu.memory_space<hbm>> -> memref<10000xf32, #tpu.memory_space<hbm>>
      %dma_wait3A_16 = tpu.memref_slice %arg4[%mul3A_2] : memref<320000xf32, #tpu.memory_space<hbm>> -> memref<10000xf32, #tpu.memory_space<hbm>>
      tpu.wait_dma2 semaphore(%run_scoped3A : memref<!tpu.dma_semaphore, #tpu.memory_space<semaphore_mem>>) src(%arg8 : memref<10000xf32, #tpu.memory_space<vmem>>) dst(%dma_wait3A_16 : memref<10000xf32, #tpu.memory_space<hbm>>)
      tpu.yield
    }) : () -> ()
    return
  }
}

module attributes {stable_mosaic.version = 14 : i64} {
  func.func @_tc_body(%arg0: i32, %arg1: memref<400x10000xf32, #tpu.memory_space<vmem>>, %arg2: memref<10000x128xf32, #tpu.memory_space<vmem>>, %arg3: memref<128x128xf32, #tpu.memory_space<vmem>>, %arg4: memref<256x1xf32, #tpu.memory_space<vmem>>, %arg5: memref<1x1xf32, #tpu.memory_space<vmem>>, %arg6: memref<400x2xf32, #tpu.memory_space<vmem>>) attributes {dimension_semantics = [#tpu.dimension_semantics<arbitrary>], iteration_bounds = array<i64: 25>, scalar_prefetch = 0 : i64, scratch_operands = 0 : i64, tpu.core_type = #tpu.core_type<tc>, window_params = [{transform_indices = @transform_0, window_bounds = array<i64: 400, 10000>}, {pipeline_mode = #tpu.pipeline_mode<synchronous>, transform_indices = @transform_1, window_bounds = array<i64: 10000, 128>}, {pipeline_mode = #tpu.pipeline_mode<synchronous>, transform_indices = @transform_2, window_bounds = array<i64: 128, 128>}, {pipeline_mode = #tpu.pipeline_mode<synchronous>, transform_indices = @transform_3, window_bounds = array<i64: 256, 1>}, {pipeline_mode = #tpu.pipeline_mode<synchronous>, transform_indices = @transform_4, window_bounds = array<i64: 1, 1>}, {transform_indices = @transform_5, window_bounds = array<i64: 400, 2>}]} {
    %get3A = arith.constant 0 : index
    %get3A_0 = arith.constant 0 : index
    %get3A_1 = vector.load %arg1[%get3A, %get3A_0] : memref<400x10000xf32, #tpu.memory_space<vmem>>, vector<400x10000xf32>
    %get3A_2 = arith.constant 0 : index
    %get3A_3 = arith.constant 0 : index
    %get3A_4 = vector.load %arg2[%get3A_2, %get3A_3] : memref<10000x128xf32, #tpu.memory_space<vmem>>, vector<10000x128xf32>
    %dot_general3A = arith.constant dense<0.000000e+00> : vector<400x128xf32>
    %dot_general3A_5 = tpu.matmul %get3A_1, %get3A_4, %dot_general3A {dimension_numbers = #tpu.dot_dimension_numbers<[1], [0], [0], [1], [0, 0, 1, 1], [], []>, transpose_lhs_hint = false} : vector<400x10000xf32>, vector<10000x128xf32>, vector<400x128xf32> -> vector<400x128xf32>
    %mul3A = arith.constant 9.99999974E-5 : f32
    %mul3A_6 = vector.broadcast %mul3A : f32 to vector<400x128xf32>
    %mul3A_7 = arith.mulf %dot_general3A_5, %mul3A_6 : vector<400x128xf32>
    %get3A_8 = arith.constant 0 : index
    %get3A_9 = arith.constant 0 : index
    %get3A_10 = vector.load %arg3[%get3A_8, %get3A_9] : memref<128x128xf32, #tpu.memory_space<vmem>>, vector<128x128xf32>
    %dot_general3A_11 = arith.constant dense<0.000000e+00> : vector<400x128xf32>
    %dot_general3A_12 = tpu.matmul %mul3A_7, %get3A_10, %dot_general3A_11 {dimension_numbers = #tpu.dot_dimension_numbers<[1], [0], [0], [1], [0, 0, 1, 1], [], []>, transpose_lhs_hint = false} : vector<400x128xf32>, vector<128x128xf32>, vector<400x128xf32> -> vector<400x128xf32>
    %max3A = arith.constant 0.000000e+00 : f32
    %max3A_13 = vector.broadcast %max3A : f32 to vector<400x128xf32>
    %max3A_14 = arith.maximumf %dot_general3A_12, %max3A_13 : vector<400x128xf32>
    %get3A_15 = arith.constant 0 : index
    %get3A_16 = arith.constant 0 : index
    %get3A_17 = vector.load %arg4[%get3A_15, %get3A_16] : memref<256x1xf32, #tpu.memory_space<vmem>>, vector<128x1xf32>
    %get3A_18 = arith.constant 128 : index
    %get3A_19 = arith.constant 0 : index
    %get3A_20 = vector.load %arg4[%get3A_18, %get3A_19] : memref<256x1xf32, #tpu.memory_space<vmem>>, vector<128x1xf32>
    %concatenate3A = tpu.concatenate %get3A_17, %get3A_20 in 1 : vector<128x1xf32>, vector<128x1xf32> -> vector<128x2xf32>
    %get3A_21 = arith.constant 0 : index
    %get3A_22 = arith.constant 0 : index
    %get3A_23 = vector.load %arg5[%get3A_21, %get3A_22] : memref<1x1xf32, #tpu.memory_space<vmem>>, vector<1x1xf32>
    %broadcast_in_dim3A = arith.constant 0.000000e+00 : f32
    %broadcast_in_dim3A_24 = vector.broadcast %broadcast_in_dim3A : f32 to vector<1x1xf32>
    %concatenate3A_25 = tpu.concatenate %get3A_23, %broadcast_in_dim3A_24 in 1 : vector<1x1xf32>, vector<1x1xf32> -> vector<1x2xf32>
    %dot_general3A_26 = arith.constant dense<0.000000e+00> : vector<400x2xf32>
    %dot_general3A_27 = tpu.matmul %max3A_14, %concatenate3A, %dot_general3A_26 {dimension_numbers = #tpu.dot_dimension_numbers<[1], [0], [0], [1], [0, 0, 1, 1], [], []>, transpose_lhs_hint = false} : vector<400x128xf32>, vector<128x2xf32>, vector<400x2xf32> -> vector<400x2xf32>
    %add3A = vector.broadcast %concatenate3A_25 : vector<1x2xf32> to vector<400x2xf32>
    %add3A_28 = arith.addf %dot_general3A_27, %add3A : vector<400x2xf32>
    %swap3A = arith.constant 0 : index
    %swap3A_29 = arith.constant 0 : index
    %swap3A_30 = vector.load %arg6[%swap3A, %swap3A_29] : memref<400x2xf32, #tpu.memory_space<vmem>>, vector<400x2xf32>
    tpu.vector_store %arg6[%swap3A, %swap3A_29], %add3A_28 {strides = array<i32>} : memref<400x2xf32, #tpu.memory_space<vmem>>, vector<400x2xf32>,
    return
  }
  func.func @transform_0(%arg0: i32) -> (i32, i32) {
    %c0_i32 = arith.constant 0 : i32
    %c0_i32_0 = arith.constant 0 : i32
    return %arg0, %c0_i32 : i32, i32
  }
  func.func @transform_1(%arg0: i32) -> (i32, i32) {
    %c0_i32 = arith.constant 0 : i32
    %c0_i32_0 = arith.constant 0 : i32
    %c0_i32_1 = arith.constant 0 : i32
    return %c0_i32, %c0_i32_0 : i32, i32
  }
  func.func @transform_2(%arg0: i32) -> (i32, i32) {
    %c0_i32 = arith.constant 0 : i32
    %c0_i32_0 = arith.constant 0 : i32
    %c0_i32_1 = arith.constant 0 : i32
    return %c0_i32, %c0_i32_0 : i32, i32
  }
  func.func @transform_3(%arg0: i32) -> (i32, i32) {
    %c0_i32 = arith.constant 0 : i32
    %c0_i32_0 = arith.constant 0 : i32
    %c0_i32_1 = arith.constant 0 : i32
    return %c0_i32, %c0_i32_0 : i32, i32
  }
  func.func @transform_4(%arg0: i32) -> (i32, i32) {
    %c0_i32 = arith.constant 0 : i32
    %c0_i32_0 = arith.constant 0 : i32
    %c0_i32_1 = arith.constant 0 : i32
    return %c0_i32, %c0_i32_0 : i32, i32
  }
  func.func @transform_5(%arg0: i32) -> (i32, i32) {
    %c0_i32 = arith.constant 0 : i32
    %c0_i32_0 = arith.constant 0 : i32
    return %arg0, %c0_i32 : i32, i32
  }
}

</mosaic_0001>

<sc_bundles>
// kernel: kernel.4.cloned.1.call-start
scs
__scs_entry_jumppad:
0x0: {  	(pc) =	sbr.rel $0x88, $3  }
0x1: {  	(tag) =	ssettag $0x0;
	lr =	simm.s32 $0x1  }
0x2: {  	[smem:$0x3F9B] =	sst lr;
	_ =	strace $0xD0000000  }
0x3: {  	_ = 	snop  }
0x4: {  	_ = 	snop  }
0x5: {  	_ = 	snop  }
0x6: {  	_ = 	snop  }
0x7: {  	_ = 	snop  }
__scs_overlays_trampoline_lowered:
0x8: {  	[smem:$0x3FAA] =	sst s0  }
0x9: {  	[smem:$0x3FAB] =	sst s1  }
0xa: {  	[smem:$0x3FAC] =	sst s2  }
0xb: {  	[smem:$0x3FAD] =	sst s3  }
0xc: {  	[smem:$0x3FAE] =	sst s4  }
0xd: {  	[smem:$0x3FAF] =	sst s5  }
0xe: {  	[smem:$0x3FB0] =	sst s6  }
0xf: {  	[smem:$0x3FB1] =	sst s7  }
0x10: {  	[smem:$0x3FB2] =	sst s8  }
0x11: {  	[smem:$0x3FB3] =	sst s9;
	s0 =	simm.s32 @!p0 $0x0  }
0x12: {  	s1 =	sld [smem:$0x3F99];
	s0 =	simm.s32 @p0 $0x1  }
0x13: {  	[smem:$0x3FB4] =	sst s0;
	s0 =	simm.s32 @!p1 $0x0  }
0x14: {  	s2 =	sld [smem:$0x3F98];
	s0 =	simm.s32 @p1 $0x1  }
0x15: {  	[smem:$0x3FB5] =	sst s0;
	s0 =	simm.s32 @!p2 $0x0  }
0x16: {  	s3 =	sld [smem:$0x3FDB];
	s0 =	simm.s32 @p2 $0x1  }
0x17: {  	s4 =	simm.s32 $0x1BF5;
	[smem:$0x3FB7] =	sst s0  }
0x18: {  	s0 =	sld [smem:$0x3F9A];
	_ =	swait.ge [sflag:s4], $0x0  }
0x19: {  	s7 =	sld [smem:$0x3F9B]  }
0x1a: {  	s8 =	sadd.s32 $0xFFFFE003, lr  }
0x1b: {  	s9 =	sadd.s32 $0xFFFFFEF7, lr;
	s5 =	simm.s32 $0xFFFFFFFF;
	p2 =	slt.u32 s8, $0xFFFFF086  }
0x1c: {  	p1 =	slt.u32 s9, $0xF7A;
	s5 =	simm.s32 @!p2 $0x0  }
0x1d: {  	s5 =	simm.s32 @p1 $0x1;
	p0 =	seq.s32 s7, s2  }
0x1e: {  	s7 =	smul.u32 @!p0 $0xF7A, s2;
	p2 =	seq.s32 @!p0 s5, $0x0  }
0x1f: {  	s9 =	smul.u32 $0xF7A, s1;
	s8 =	simm.s32 @!p0 $0x1BF5;
	p2 =	por !p2, p0  }
0x20: {  	[sflag:s8] =	ssyncset.s32 @!p0 $0xFFFFF086;
	s6 =	sadd.s32 @!p0 s3, s7;
	s7 =	simm.s32 @!p0 $0x108  }
0x21: {  	s3 =	sadd.s32 s3, s9;
	s6 =	sadd.s32 @!p0 $0x88, s6;
	s7 =	simm.s32 @p2 $0x1082  }
0x22: {  	[simem:s7], [sflag:s8] =	dma.local @!p0 [hbm:s6], $0xF7A  }
0x23: {  	s9 =	sor.u32 $0xD0000000, s2;
	s6 =	simm.s32 $0x108;
	_ =	swait.ge @!p0 [sflag:s8], $0x0  }
0x24: {  	s3 =	sadd.s32 $0x88, s3;
	s6 =	simm.s32 @!p1 $0x1082;
	[sflag:s4] =	ssyncset.s32 $0xFFFFF086  }
0x25: {  	[simem:s6], [sflag:s4] =	dma.local [hbm:s3], $0xF7A  }
0x26: {  	[smem:$0x3F9B] =	sst s1;
	(tag) =	ssettag s2;
	_ =	strace s9  }
0x27: {  	s1 =	sld [smem:$0x3FAB]  }
0x28: {  	s2 =	sld [smem:$0x3FAC]  }
0x29: {  	s4 =	sld [smem:$0x3FAE]  }
0x2a: {  	p0 =	seq.s32 s5, $0x0;
	s5 =	sld [smem:$0x3FAF]  }
0x2b: {  	s6 =	sld [smem:$0x3FB0]  }
0x2c: {  	s7 =	sld [smem:$0x3FB1]  }
0x2d: {  	s3 =	simm.s32 $0x108;
	s8 =	sld [smem:$0x3FB2]  }
0x2e: {  	s3 =	simm.s32 @!p0 $0x1082;
	s9 =	sld [smem:$0x3FB3]  }
0x2f: {  	lr =	sadd.s32 s0, s3;
	s0 =	sld [smem:$0x3FAA]  }
0x30: {  	s3 =	sld [smem:$0x3FAD]  }
0x31: {  	[smem:$0x3FB6] =	sst s10  }
0x32: {  	s10 =	sld [smem:$0x3FB4];
	_ =	sdelay $0x3  }
0x33: {  	p0 =	seq.s32 s10, $0x1;
	s10 =	sld [smem:$0x3FB6];
	_ =	sdelay $0x3  }
0x34: {  	[smem:$0x3FB6] =	sst s10  }
0x35: {  	s10 =	sld [smem:$0x3FB5];
	_ =	sdelay $0x3  }
0x36: {  	p1 =	seq.s32 s10, $0x1;
	s10 =	sld [smem:$0x3FB6];
	_ =	sdelay $0x3  }
0x37: {  	[smem:$0x3FB6] =	sst s10  }
0x38: {  	s10 =	sld [smem:$0x3FB7]  }
0x39: {  	_ = 	snop;
	(pc) =	sbr.ind lr, $3  }
0x3a: {  	_ = 	snop  }
0x3b: {  	_ = 	snop  }
0x3c: {  	p2 =	seq.s32 s10, $0x1;
	s10 =	sld [smem:$0x3FB6]  }
0x3d: {  	_ =	shalt  }
0x3e: {  	_ =	shalt  }
0x3f: {  	_ =	shalt  }
0x40: {  	_ =	shalt  }
0x41: {  	_ =	shalt  }
0x42: {  	_ =	shalt  }
0x43: {  	_ =	shalt  }
0x44: {  	_ =	shalt  }
0x45: {  	_ =	shalt  }
0x46: {  	_ =	shalt  }
0x47: {  	_ =	shalt  }
0x48: {  	_ =	shalt  }
0x49: {  	_ =	shalt  }
0x4a: {  	_ =	shalt  }
0x4b: {  	_ =	shalt  }
0x4c: {  	_ =	shalt  }
0x4d: {  	_ =	shalt  }
0x4e: {  	_ =	shalt  }
0x4f: {  	_ =	shalt  }
0x50: {  	_ =	shalt  }
0x51: {  	_ =	shalt  }
0x52: {  	_ =	shalt  }
0x53: {  	_ =	shalt  }
0x54: {  	_ =	shalt  }
0x55: {  	_ =	shalt  }
0x56: {  	_ =	shalt  }
0x57: {  	_ =	shalt  }
0x58: {  	_ =	shalt  }
0x59: {  	_ =	shalt  }
0x5a: {  	_ =	shalt  }
0x5b: {  	_ =	shalt  }
0x5c: {  	_ =	shalt  }
0x5d: {  	_ =	shalt  }
0x5e: {  	_ =	shalt  }
0x5f: {  	_ =	shalt  }
0x60: {  	_ =	shalt  }
0x61: {  	_ =	shalt  }
0x62: {  	_ =	shalt  }
0x63: {  	_ =	shalt  }
0x64: {  	_ =	shalt  }
0x65: {  	_ =	shalt  }
0x66: {  	_ =	shalt  }
0x67: {  	_ =	shalt  }
0x68: {  	_ =	shalt  }
0x69: {  	_ =	shalt  }
0x6a: {  	_ =	shalt  }
0x6b: {  	_ =	shalt  }
0x6c: {  	_ =	shalt  }
0x6d: {  	_ =	shalt  }
0x6e: {  	_ =	shalt  }
0x6f: {  	_ =	shalt  }
0x70: {  	_ =	shalt  }
0x71: {  	_ =	shalt  }
0x72: {  	_ =	shalt  }
0x73: {  	_ =	shalt  }
0x74: {  	_ =	shalt  }
0x75: {  	_ =	shalt  }
0x76: {  	_ =	shalt  }
0x77: {  	_ =	shalt  }
0x78: {  	_ =	shalt  }
0x79: {  	_ =	shalt  }
0x7a: {  	_ =	shalt  }
0x7b: {  	_ =	shalt  }
0x7c: {  	_ =	shalt  }
0x7d: {  	_ =	shalt  }
0x7e: {  	_ =	shalt  }
0x7f: {  	_ =	shalt  }
0x80: {  	_ =	shalt  }
0x81: {  	_ =	shalt  }
0x82: {  	_ =	shalt  }
0x83: {  	_ =	shalt  }
0x84: {  	_ =	shalt  }
0x85: {  	_ =	shalt  }
0x86: {  	_ =	shalt  }
0x87: {  	_ =	shalt  }
.Lfunc_end0:
.L_simem_size_0:
called_computation_lowered:
.L_overlay_start_0:
0x88: {  	s2 =	sld [smem:$0x3FD9]  }
0x89: {  	s3 =	sld [smem:$0x3FFE];
	_ =	sdelay $0x1  }
0x8a: {  	s1 =	srdreg.scid  }
0x8b: {  	s0 =	sand.u32 $0x1, s1  }
0x8c: {  	s17 =	sshll.u32 s0, $0xA;
	s2 =	sadd.s32 s3, s2  }
0x8d: {  	s2 =	sadd.s32 s2, s17  }
0x8e: {  	[smem:$0x3FC2] =	sst s2  }
0x8f: {  	_ = 	snop  }
0x90: {  	s2 =	sld [smem:$0x3FD0];
	(tm) =	ssettm $0x1  }
0x91: {  	s18 =	sld [smem:$0x3FFB];
	_ =	sdelay $0x3  }
0x92: {  	_ =	strace s18  }
0x93: {  	s3 =	sld [smem:$0x3FFC];
	_ =	sdelay $0x3  }
0x94: {  	_ =	strace s3  }
0x95: {  	s3 =	sld [smem:$0x3FFD];
	_ =	sdelay $0x3  }
0x96: {  	_ =	strace s3  }
0x97: {  	_ =	strace $0x8FFFFFFF  }
0x98: {  	s19 =	sld [smem:$0x3FDB];
	_ =	sdelay $0x1  }
0x99: {  	s4 =	simm.s32 $_scs_section_size  }
0x9a: {  	s5 =	simm.s32 $_size__tile_overlayer_lowered;
	s6 =	simm.s32 $_tile_overlayer_lowered  }
0x9b: {  	s22 =	simm.s32 $0x1BFF;
	s21 =	sshll.u32 s6, $0x1;
	s3 =	sadd.s32 s4, s19  }
0x9c: {  	s7 =	simm.s32 $0x0;
	s20 =	sshll.u32 s5, $0x1;
	s5 =	sadd.s32 s21, s3  }
0x9d: {  	[timem:s7], [sflag:s22] =	dma.local [hbm:s5], s20  }
0x9e: {  	_ =	swait.ge [sflag:s22], s20  }
0x9f: {  	s4 =	ssub.s32 $0x0, s20;
	[sflag:s22] =	ssyncset.done $0x0  }
0xa0: {  	[sflag:s22] =	ssyncadd.s32 s4;
	_ =	sdelay $0x1  }
0xa1: {  	s23 =	simm.s32 $0x1B8B  }
0xa2: {  	_ =	swait.ge [sflag:s23], $0x1  }
0xa3: {  	[sflag:s23] =	ssyncset.done $0x0  }
0xa4: {  	s25 =	simm.s32 $0x1B8E;
	s24 =	sld [smem:$0x3FFE];
	[sflag:s23] =	ssyncadd.s32 $0xFFFFFFFF  }
0xa5: {  	s26 =	simm.s32 $execute0_lowered;
	[smem:$0x3FD2] =	sst s25  }
0xa6: {  	s5 =	sshll.u32 s26, $0x1;
	_ =	strace $0x80000046;
	[dreg:$0x1] =	wrdreg $0xFFFFFFFF  }
0xa7: {  	s28 =	simm.s32 $_size_execute0_lowered;
	s3 =	sadd.s32 s3, s5;
	[dreg:$0x0] =	wrdreg $0x0  }
0xa8: {  	s5 =	sshll.u32 s28, $0x1;
	[dreg:$0x2] =	wrdreg s3  }
0xa9: {  	[dreg:$0x3] =	wrdreg s5  }
0xaa: {  	[dreg:$0x4] =	wrdreg $0xC0  }
0xab: {  	_ =	task [dreg:s7], $0x5FFFF  }
0xac: {  	[dreg:$0x1] =	wrdreg $0xFFFFFFFF  }
0xad: {  	[dreg:$0x0] =	wrdreg $0x60  }
0xae: {  	[dreg:$0x2] =	wrdreg s2  }
0xaf: {  	[dreg:$0x3] =	wrdreg s24  }
0xb0: {  	[dreg:$0x4] =	wrdreg $0x9  }
0xb1: {  	_ =	task.clear_ibuf [dreg:s7], $0x5FFFF;
	_ =	strace $0x90000046  }
0xb2: {  	s29 =	simm.s32 $0x9;
	_ =	strace $0x80000048  }
0xb3: {  	_ =	swait.ge [sflag:s29], $0x1  }
0xb4: {  	[sflag:s29] =	ssyncadd.s32 $0xFFFFFFFF  }
0xb5: {  	_ =	strace $0x90000048  }
0xb6: {  	_ =	sfence  }
0xb7: {  	s30 =	sld [smem:$0x0];
	_ =	sdelay $0x2  }
0xb8: {  	s31 =	sshll.u32 s1, $0xD;
	s1 =	sshrl.u32 s1, $0x2  }
0xb9: {  	s3 =	sand.u32 $0x4000, s31;
	s1 =	sadd.s32 s1, s30  }
0xba: {  	s0 =	sor.u32 s3, s0;
	s1 =	sshll.u32 s1, $0x11  }
0xbb: {  	s0 =	sor.u32 s1, s0  }
0xbc: {  	s0 =	sadd.s32 $0x8F2B, s0  }
0xbd: {  	[sflag:s0] =	ssyncadd.remote.s32 $0x1  }
0xbe: {  	_ =	sfence.sel $0xFFFF  }
0xbf: {  	[dreg:$0x0] =	wrdreg $0xFFFFFFFF;
	(pc) =	sbr.abs _section_cstart, $3  }
0xc0: {  	[dreg:$0x1] =	wrdreg $0xFFFFFFFF  }
0xc1: {  	_ =	task.clear_ibuf [dreg:s7], $0x2FFFF;
	_ =	strace $0x9FFFFFFF  }
0xc2: {  	(tm) =	ssettm $0x7FFFFFFF  }
0xc3: {  	_ =	shalt  }
tec
execute0_lowered:
.L_overlay_start_1:
0x0: {  	(tag) =	ssettag $0x1  }
0x1: {  	s1 =	srdreg.scid  }
0x2: {  	s0 =	stileid.u32;
	s2 =	rddreg [dreg:$0x0]  }
0x3: {  	s5 =	rddreg [dreg:$0x1];
	s3 =	simm.s32 $0x0;
	s8 =	simm.s32 $0x4E80  }
0x4: {  	s9 =	simm.s32 $0x7600;
	s4 =	sand.u32 $0x1, s1;
	s30 =	sshll.u32 s0, $0x1  }
0x5: {  	s10 =	simm.s32 $0x1;
	s11 =	simm.s32 $0x9D80;
	s1 =	sor.u32 s4, s30  }
0x6: {  	s12 =	simm.s32 $0x2;
	s4 =	ssub.s32 $0x2, s4;
	s6 =	smul.u32 $0x2710, s1  }
0x7: {  	s13 =	simm.s32 $0x0;
	[smem:$0x7FF] =	sst s3;
	s31 =	sshrl.u32 s4, $0x1  }
0x8: {  	s1 =	rddreg [dreg:$0x2];
	s7 =	ssub.s32 s4, s31;
	s6 =	sshrl.u32 s6, $0x3  }
0x9: {  	_ =	strace $0x80000047;
	s7 =	smax.u32 s7, $0x1;
	s6 =	sadd.s32 s6, s5  }
0xa: {  	s4 =	sadd.s32 $0x600, s6;
	s5 =	sadd.s32 $0xA240, s6;
	s6 =	sadd.s32 $0x14000, s6  }
.LBB2_1:
0xb: {  	[tilespmem:s3], [sflag:$0x1] =	stream.linear.gather [hbm4b:s2+s3], $0x4E80, $0x38;
	[tilespmem:$0xC500] =	vst v63  }
0xc: {  	_ = 	snop  }
0xd: {  	[tilespmem:s8], [sflag:$0x1] =	stream.linear.gather [hbm4b:s4+s3], $0x2710, $0x38;
	[tilespmem:$0xC500] =	vst v63  }
0xe: {  	_ = 	snop  }
0xf: {  	[tilespmem:s9], [sflag:$0x1] =	stream.linear.gather [hbm4b:s5+s3], $0x2710, $0x38;
	[tilespmem:$0xC500] =	vst v63  }
0x10: {  	_ =	swait.ge [sflag:s10], $0x4E80  }
0x11: {  	[sflag:s10] =	ssyncset.done $0x0  }
0x12: {  	[sflag:s10] =	ssyncadd.s32 $0xFFFFB180  }
0x13: {  	_ =	swait.ge [sflag:s10], $0x2710  }
0x14: {  	[sflag:s10] =	ssyncset.done $0x0  }
0x15: {  	[sflag:s10] =	ssyncadd.s32 $0xFFFFD8F0  }
0x16: {  	_ =	swait.ge [sflag:s10], $0x2710  }
0x17: {  	[sflag:s10] =	ssyncset.done $0x0  }
0x18: {  	s15 =	simm.s32 $0x4EC0;
	[sflag:s10] =	ssyncadd.s32 $0xFFFFD8F0  }
0x19: {  	s14 =	simm.s32 $0x7640;
	v0 =	vld [tilespmem:s15+$0x30]  }
0x1a: {  	v1 =	vld [tilespmem:s14+$0x30]  }
0x1b: {  	v2 =	vld [tilespmem:s14+$0xFFFFFFC0]  }
0x1c: {  	v3 =	vld [tilespmem:s14+$0xFFFFFFD0]  }
0x1d: {  	v4 =	vld [tilespmem:s14+$0xFFFFFFE0]  }
0x1e: {  	v5 =	vld [tilespmem:s14+$0xFFFFFFF0]  }
0x1f: {  	v6 =	vld [tilespmem:s14+$0x0]  }
0x20: {  	v9 =	vld [tilespmem:s15+$0xFFFFFFD0]  }
0x21: {  	v7 =	vld [tilespmem:s14+$0x10];
	v0 =	vshll.u32 v0, $0x1  }
0x22: {  	v10 =	vld [tilespmem:s15+$0xFFFFFFE0];
	v1 =	vshll.u32 v1, $0x1  }
0x23: {  	v14 =	vld [tilespmem:s15+$0x10];
	v1 =	vor.u32 $0x1, v1  }
0x24: {  	v8 =	vld [tilespmem:s14+$0x20]  }
0x25: {  	v11 =	vld [tilespmem:s15+$0x0];
	v9 =	vshll.u32 v9, $0x1  }
0x26: {  	v12 =	vld.idx.msk [tilespmem:v0+s3+$0x0], $0xffff  }
0x27: {  	v10 =	vshll.u32 v10, $0x1;
	v0 =	vshll.u32 v2, $0x1;
	v2 =	vld [tilespmem:s15+$0xFFFFFFF0]  }
0x28: {  	v14 =	vshll.u32 v14, $0x1;
	v13 =	vld.idx.msk [tilespmem:v1+s3+$0x0], $0xffff;
	v0 =	vor.u32 $0x1, v0;
	v1 =	vshll.u32 v3, $0x1  }
0x29: {  	v3 =	vshll.u32 v4, $0x1;
	v4 =	vshll.u32 v5, $0x1;
	v5 =	vshll.u32 v6, $0x1;
	v6 =	vld [tilespmem:s15+$0x20]  }
0x2a: {  	v18 =	vld.idx.msk [tilespmem:v9+s3+$0x0], $0xffff;
	v3 =	vor.u32 $0x1, v3  }
0x2b: {  	v4 =	vor.u32 $0x1, v4;
	v15 =	vor.u32 $0x1, v5;
	v5 =	vshll.u32 v7, $0x1;
	v7 =	vld [tilespmem:s15+$0xFFFFFFC0]  }
0x2c: {  	v63 =	vshll.u32 v11, $0x1;
	v11 =	vld.idx.msk [tilespmem:v10+s3+$0x0], $0xffff  }
0x2d: {  	v1 =	vor.u32 $0x1, v1;
	v0 =	vld.idx.msk [tilespmem:v0+s3+$0x0], $0xffff  }
0x2e: {  	v16 =	vor.u32 $0x1, v5;
	v5 =	vshll.u32 v8, $0x1;
	v19 =	vshll.u32 v6, $0x1;
	v6 =	vld.idx.msk [tilespmem:v14+s3+$0x0], $0xffff  }
0x2f: {  	v8 =	vor.u32 $0x1, v5;
	v5 =	vld.idx.msk [tilespmem:v3+s3+$0x0], $0xffff  }
0x30: {  	v3 =	vld.idx.msk [tilespmem:v4+s3+$0x0], $0xffff;
	v7 =	vshll.u32 v7, $0x1  }
0x31: {  	v4 =	vld.idx.msk [tilespmem:v15+s3+$0x0], $0xffff;
	v15 =	vshll.u32 v2, $0x1  }
0x32: {  	v17 =	vld.idx.msk [tilespmem:v1+s3+$0x0], $0xffff  }
0x33: {  	v2 =	vld.idx.msk [tilespmem:v16+s3+$0x0], $0xffff  }
0x34: {  	v1 =	vld.idx.msk [tilespmem:v8+s3+$0x0], $0xffff  }
0x35: {  	v10 =	vld.idx.msk [tilespmem:v7+s3+$0x0], $0xffff  }
0x36: {  	v9 =	vld.idx.msk [tilespmem:v15+s3+$0x0], $0xffff;
	v7 =	vadd.f32 v13, v12  }
0x37: {  	s15 =	simm.s32 $0x9DC0;
	v8 =	vld.idx.msk [tilespmem:v63+s3+$0x0], $0xffff  }
0x38: {  	s16 =	simm.s32 $0x0;
	s17 =	simm.s32 $0x4F40;
	v12 =	vadd.f32 v17, v18;
	[tilespmem:s15+$0x30] =	vst v7;
	v7 =	vld.idx.msk [tilespmem:v19+s3+$0x0], $0xffff  }
.LBB2_2:
0x39: {  	v13 =	vld [tilespmem:s17+$0x30];
	v5 =	vadd.f32 v5, v11;
	s14 =	sadd.s32 $0x80, s14  }
0x3a: {  	s16 =	sadd.s32 $0x80, s16;
	v0 =	vadd.f32 v0, v10;
	v11 =	vld [tilespmem:s14+$0x30];
	[tilespmem:s15+$0xFFFFFFD0] =	vst v12  }
0x3b: {  	p0 =	slt.u32 s16, $0x2680;
	v3 =	vadd.f32 v3, v9;
	v10 =	vld [tilespmem:s14+$0xFFFFFFC0];
	[tilespmem:s15+$0xFFFFFFE0] =	vst v5  }
0x3c: {  	v5 =	vld [tilespmem:s14+$0xFFFFFFD0];
	[tilespmem:s15+$0xFFFFFFC0] =	vst v0;
	v0 =	vadd.f32 v4, v8  }
0x3d: {  	v2 =	vadd.f32 v2, v6;
	v4 =	vld [tilespmem:s14+$0xFFFFFFE0];
	[tilespmem:s15+$0xFFFFFFF0] =	vst v3  }
0x3e: {  	v3 =	vld [tilespmem:s14+$0xFFFFFFF0];
	[tilespmem:s15+$0x0] =	vst v0;
	v0 =	vadd.f32 v1, v7  }
0x3f: {  	v6 =	vshll.u32 v13, $0x1;
	v1 =	vld [tilespmem:s14+$0x0];
	v7 =	vshll.u32 v11, $0x1;
	[tilespmem:s15+$0x10] =	vst v2  }
0x40: {  	v2 =	vshll.u32 v10, $0x1;
	v8 =	vld [tilespmem:s14+$0x10];
	v7 =	vor.u32 $0x1, v7;
	[tilespmem:s15+$0x20] =	vst v0  }
0x41: {  	v0 =	vor.u32 $0x1, v2;
	v2 =	vshll.u32 v5, $0x1;
	v5 =	vld [tilespmem:s14+$0x20]  }
0x42: {  	v9 =	vld [tilespmem:s17+$0xFFFFFFD0];
	v2 =	vor.u32 $0x1, v2;
	v4 =	vshll.u32 v4, $0x1  }
0x43: {  	v10 =	vld [tilespmem:s17+$0xFFFFFFE0];
	v4 =	vor.u32 $0x1, v4;
	v3 =	vshll.u32 v3, $0x1  }
0x44: {  	v3 =	vor.u32 $0x1, v3;
	v1 =	vshll.u32 v1, $0x1;
	v6 =	vld.idx.msk [tilespmem:v6+s3+$0x0], $0xffff  }
0x45: {  	v1 =	vor.u32 $0x1, v1;
	v8 =	vshll.u32 v8, $0x1;
	v7 =	vld.idx.msk [tilespmem:v7+s3+$0x0], $0xffff  }
0x46: {  	v11 =	vld [tilespmem:s17+$0xFFFFFFF0];
	v8 =	vor.u32 $0x1, v8;
	v5 =	vshll.u32 v5, $0x1  }
0x47: {  	v9 =	vshll.u32 v9, $0x1;
	v12 =	vld [tilespmem:s17+$0x0];
	v13 =	vor.u32 $0x1, v5  }
0x48: {  	v10 =	vshll.u32 v10, $0x1;
	v14 =	vld [tilespmem:s17+$0x10]  }
0x49: {  	v15 =	vld [tilespmem:s17+$0x20]  }
0x4a: {  	v16 =	vld [tilespmem:s17+$0xFFFFFFC0]  }
0x4b: {  	v6 =	vadd.f32 v7, v6;
	v0 =	vld.idx.msk [tilespmem:v0+s3+$0x0], $0xffff;
	v17 =	vshll.u32 v11, $0x1  }
0x4c: {  	s15 =	sadd.s32 $0x80, s15;
	v7 =	vld.idx.msk [tilespmem:v2+s3+$0x0], $0xffff;
	v12 =	vshll.u32 v12, $0x1  }
0x4d: {  	v5 =	vld.idx.msk [tilespmem:v4+s3+$0x0], $0xffff;
	v14 =	vshll.u32 v14, $0x1;
	[tilespmem:s15+$0x30] =	vst v6  }
0x4e: {  	v3 =	vld.idx.msk [tilespmem:v3+s3+$0x0], $0xffff;
	v15 =	vshll.u32 v15, $0x1  }
0x4f: {  	v6 =	vshll.u32 v16, $0x1;
	v4 =	vld.idx.msk [tilespmem:v1+s3+$0x0], $0xffff  }
0x50: {  	v2 =	vld.idx.msk [tilespmem:v8+s3+$0x0], $0xffff  }
0x51: {  	v1 =	vld.idx.msk [tilespmem:v13+s3+$0x0], $0xffff  }
0x52: {  	v13 =	vld.idx.msk [tilespmem:v9+s3+$0x0], $0xffff  }
0x53: {  	v11 =	vld.idx.msk [tilespmem:v10+s3+$0x0], $0xffff  }
.Ltmp0:
0x54: {  	v10 =	vld.idx.msk [tilespmem:v6+s3+$0x0], $0xffff;
	(pc) =	sbr.rel @p0 .LBB2_2-.Ltmp0, $4  }
0x55: {  	v9 =	vld.idx.msk [tilespmem:v17+s3+$0x0], $0xffff  }
0x56: {  	v8 =	vld.idx.msk [tilespmem:v12+s3+$0x0], $0xffff  }
0x57: {  	v6 =	vld.idx.msk [tilespmem:v14+s3+$0x0], $0xffff  }
0x58: {  	s17 =	sadd.s32 $0x80, s17;
	v12 =	vadd.f32 v7, v13;
	v7 =	vld.idx.msk [tilespmem:v15+s3+$0x0], $0xffff  }
0x59: {  	v5 =	vadd.f32 v5, v11  }
0x5a: {  	v0 =	vadd.f32 v0, v10;
	[tilespmem:s15+$0xFFFFFFD0] =	vst v12  }
0x5b: {  	v3 =	vadd.f32 v3, v9;
	[tilespmem:s15+$0xFFFFFFE0] =	vst v5  }
0x5c: {  	[tilespmem:s15+$0xFFFFFFC0] =	vst v0;
	v61 =	vadd.f32 v4, v8  }
0x5d: {  	[tilespmem:s15+$0xFFFFFFF0] =	vst v3;
	v2 =	vadd.f32 v2, v6  }
0x5e: {  	[tilespmem:s15+$0x0] =	vst v61;
	v62 =	vadd.f32 v1, v7  }
0x5f: {  	[tilespmem:s15+$0x10] =	vst v2  }
0x60: {  	[tilespmem:s15+$0x20] =	vst v62  }
0x61: {  	v0 =	vld [tilespmem:$0x7580]  }
0x62: {  	v63 =	vld [tilespmem:$0x9D00];
	_ =	sdelay $0x4  }
0x63: {  	v0 =	vshll.u32 v0, $0x1;
	v1 =	vshll.u32 v63, $0x1  }
0x64: {  	v1 =	vor.u32 $0x1, v1;
	_ =	sdelay $0x3  }
0x65: {  	v0 =	vld.idx.msk [tilespmem:v0+s3+$0x0], $0xffff  }
0x66: {  	v1 =	vld.idx.msk [tilespmem:v1+s3+$0x0], $0xffff;
	_ =	sdelay $0x4  }
0x67: {  	s13 =	sadd.s32 $0x1, s13;
	v0 =	vadd.f32 v1, v0  }
0x68: {  	p0 =	sne.s32 s13, s7  }
.Ltmp1:
0x69: {  	[tilespmem:$0xC480] =	vst v0;
	(pc) =	sbr.rel @p0 .LBB2_1-.Ltmp1, $4  }
0x6a: {  	[hbm4b:s6+s3] =	stream.linear.scatter [tilespmem:s11], [sflag:$0x2], $0x2710, $0x38;
	[tilespmem:$0xC500] =	vst v63  }
0x6b: {  	_ =	swait.ge [sflag:s12], $0x2710  }
0x6c: {  	[sflag:s12] =	ssyncset.done $0x0  }
0x6d: {  	[sflag:s12] =	ssyncadd.s32 $0xFFFFD8F0  }
0x6e: {  	_ =	sfence.sel $0x180000  }
0x6f: {  	[bflag:$0x0] =	sbarrier.arrive $0xFFFF  }
0x70: {  	p0 =	sne.s32 s0, $0x0;
	_ =	strace $0x90000047  }
0x71: {  	s0 =	sadd.s32 @!p0 $0x100000, s1;
	[bflag:$0x2] =	sbarrier.arrive $0xFFFF  }
0x72: {  	[sflag:s0] =	ssyncadd.tile.s32 @!p0 $0x1;
	_ =	shalt  }
.Lfunc_end2:
_tile_overlayer_lowered:
.L_overlay_start_2:
0x73: {  	(tag) =	ssettag $0x2  }
0x74: {  	s0 =	rddreg [dreg:$0x0];
	s2 =	stileid.u32  }
0x75: {  	s1 =	rddreg [dreg:$0x1];
	p0 =	sne.s32 s2, $0x0  }
0x76: {  	s3 =	rddreg [dreg:$0x2];
	[bflag:$0x3] =	sbarrier.arrive $0xFFFF;
	s2 =	simm.s32 @!p0 $0x1C02  }
0x77: {  	[timem:s3], [sflag:s2] =	dma.local @!p0 [hbm:s0], s1  }
0x78: {  	s0 =	simm.s32 @!p0 $0x2  }
0x79: {  	_ =	swait.ge @!p0 [sflag:s0], s1  }
0x7a: {  	s1 =	ssub.s32 @!p0 $0x0, s1;
	[sflag:s0] =	ssyncset.done @!p0 $0x0  }
0x7b: {  	[sflag:s0] =	ssyncadd.s32 @!p0 s1  }
0x7c: {  	[bflag:$0x3] =	sbarrier.arrive $0xFFFF  }
0x7d: {  	_ =	shalt  }

</sc_bundles>
